<compile_context>
chip_gen: v7x
topology: tpu7x:2x2x1
jax: 0.10.2.dev20260603
libtpu: 0.0.44.dev20260713+nightly
codegen_flags: <defaults>
</compile_context>

<pallas_src>
import functools

import jax
import jax.numpy as jnp
from jax import lax
from jax.experimental import pallas as pl
from jax.experimental.pallas import tpu as pltpu
from jax.experimental.pallas import tpu_sc as plsc

N_NODES = 100000
EMB_DIM = 64

NUM_CORES = 2
NUM_SUBCORES = 16
NW = NUM_CORES * NUM_SUBCORES

CHUNK = 128
ROWS_PER_W = 3128
NCH = 25
LAST_OFF = ROWS_PER_W - CHUNK
NBUF = 4

_mesh = plsc.VectorSubcoreMesh(core_axis_name="c", subcore_axis_name="s")


@functools.partial(
    pl.kernel,
    mesh=_mesh,
    compiler_params=pltpu.CompilerParams(use_tc_tiling_on_sc=False),
    out_type=jax.ShapeDtypeStruct((N_NODES, EMB_DIM), jnp.float32),
    scratch_types=[
        pltpu.VMEM((ROWS_PER_W,), jnp.int32),
        pltpu.VMEM((NBUF, CHUNK, EMB_DIM), jnp.float32),
        pltpu.SemaphoreType.DMA,
        pltpu.SemaphoreType.DMA,
        pltpu.SemaphoreType.DMA,
        pltpu.SemaphoreType.DMA,
    ],
)
def _gather_kernel(idx_hbm, table_hbm, out_hbm, idx_v, rows_v, g0, g1, g2, g3):
    gs = [g0, g1, g2, g3]
    wid = lax.axis_index("s") * NUM_CORES + lax.axis_index("c")
    start = wid * ROWS_PER_W
    base = jnp.minimum(start, N_NODES - ROWS_PER_W)
    pltpu.sync_copy(idx_hbm.at[pl.ds(base, ROWS_PER_W)], idx_v)
    loff = start - base

    def off(c):
        return jnp.minimum(loff + c * CHUNK, LAST_OFF)

    def fire(c, b):
        pltpu.async_copy(
            table_hbm.at[idx_v.at[pl.ds(off(c), CHUNK)]], rows_v.at[b], gs[b]
        )

    def drain(b):
        pltpu.make_async_copy(
            table_hbm.at[pl.ds(0, CHUNK), :], rows_v.at[b], gs[b]
        ).wait()

    def writeout(c, b):
        pltpu.sync_copy(rows_v.at[b], out_hbm.at[pl.ds(base + off(c), CHUNK), :])

    for b in range(NBUF):
        fire(b, b)

    @pl.loop(0, NCH - 1, step=NBUF)
    def _(j):
        for b in range(NBUF):
            c = j + b
            drain(b)
            writeout(c, b)

            @pl.when(c + NBUF < NCH)
            def _():
                fire(c + NBUF, b)

    drain(0)
    writeout(NCH - 1, 0)


def kernel(x, table):
    return _gather_kernel(x[:, 0], table)

# --- scband reference (transcript-rebuilt; emitter-appended) ---
"""Pipeline reference for scband-type-dict-node-encoder-73203422593041 (READ-ONLY COPY).

The authoritative reference and input builder live on the scoring server;
editing this copy changes nothing except your own understanding.
"""

import jax, jax.numpy as jnp
import numpy as np

NUM_TYPES = 100000
EMB_DIM = 64
N_NODES = 100000

def setup_inputs(seed: int = 0) -> dict:
    key = jax.random.key(seed)
    k_x, k_tab = jax.random.split(key)
    x = jax.random.randint(k_x, (N_NODES, 1), 0, NUM_TYPES, dtype=jnp.int32)
    table = jax.random.normal(k_tab, (NUM_TYPES, EMB_DIM), dtype=jnp.float32)
    return {"x": x, "table": table}

def reference(x, table):
    # batch.x = self.encoder(batch.x[:, 0])
    idx = x[:, 0]
    out = jnp.take(table, idx, axis=0)
    return out

if __name__ == "__main__":
    import jax
    _d = setup_inputs()
    print(jax.jit(kernel)(*tuple(_d.values())))

</pallas_src>

<mosaic_0001>
#map = affine_map<(d0, d1) -> (0)>
#map1 = affine_map<(d0, d1) -> (0, 0)>
module attributes {stable_mosaic.version = 14 : i64} {
  func.func @_gather_kernel(%arg0: i32, %arg1: i32, %arg2: memref<100000xi32, #tpu.memory_space<hbm>>, %arg3: memref<100000x64xf32, #tpu.memory_space<hbm>>, %arg4: memref<100000x64xf32, #tpu.memory_space<hbm>>, %arg5: memref<3128xi32, #tpu.memory_space<vmem>>, %arg6: memref<4x128x64xf32, #tpu.memory_space<vmem>>, %arg7: memref<!tpu.dma_semaphore, #tpu.memory_space<semaphore_mem>>, %arg8: memref<!tpu.dma_semaphore, #tpu.memory_space<semaphore_mem>>, %arg9: memref<!tpu.dma_semaphore, #tpu.memory_space<semaphore_mem>>, %arg10: memref<!tpu.dma_semaphore, #tpu.memory_space<semaphore_mem>>) attributes {dimension_semantics = [#tpu.dimension_semantics<core_parallel>, #tpu.dimension_semantics<subcore_parallel>], iteration_bounds = array<i64: 2, 16>, scalar_prefetch = 0 : i64, scratch_operands = 6 : i64, tpu.core_type = #tpu.core_type<sc_vector_subcore>, window_params = [{transform_indices = #map}, {transform_indices = #map1}, {transform_indices = #map1}]} {
    %mul3A = arith.constant 2 : i32
    %mul3A_0 = arith.muli %arg1, %mul3A : i32
    %add3A = arith.addi %mul3A_0, %arg0 : i32
    %mul3A_1 = arith.constant 3128 : i32
    %mul3A_2 = arith.muli %add3A, %mul3A_1 : i32
    %min3A = arith.constant 96872 : i32
    %min3A_3 = arith.minsi %mul3A_2, %min3A : i32
    "tpu.region"() ({
      %run_scoped3A_78 = tpu.sem_alloc : memref<!tpu.dma_semaphore, #tpu.memory_space<semaphore_mem>>
      %dma_start3A_79 = tpu.memref_slice %arg2[%min3A_3] : memref<100000xi32, #tpu.memory_space<hbm>> -> memref<3128xi32, #tpu.memory_space<hbm>>
      %dma_start3A_80 = tpu.memref_slice %arg2[%min3A_3] : memref<100000xi32, #tpu.memory_space<hbm>> -> memref<3128xi32, #tpu.memory_space<hbm>>
      tpu.enqueue_dma source(%dma_start3A_80 : memref<3128xi32, #tpu.memory_space<hbm>>) target(%arg5 : memref<3128xi32, #tpu.memory_space<vmem>>) target_semaphore(%run_scoped3A_78 : memref<!tpu.dma_semaphore, #tpu.memory_space<semaphore_mem>>)
      %dma_wait3A_81 = tpu.memref_slice %arg2[%min3A_3] : memref<100000xi32, #tpu.memory_space<hbm>> -> memref<3128xi32, #tpu.memory_space<hbm>>
      %dma_wait3A_82 = tpu.memref_slice %arg2[%min3A_3] : memref<100000xi32, #tpu.memory_space<hbm>> -> memref<3128xi32, #tpu.memory_space<hbm>>
      tpu.wait_dma2 semaphore(%run_scoped3A_78 : memref<!tpu.dma_semaphore, #tpu.memory_space<semaphore_mem>>) src(%dma_wait3A_82 : memref<3128xi32, #tpu.memory_space<hbm>>) dst(%arg5 : memref<3128xi32, #tpu.memory_space<vmem>>)
      tpu.yield
    }) : () -> ()
    %sub3A = arith.subi %mul3A_2, %min3A_3 : i32
    %add3A_4 = arith.constant 0 : i32
    %add3A_5 = arith.addi %sub3A, %add3A_4 : i32
    %min3A_6 = arith.constant 3000 : i32
    %min3A_7 = arith.minsi %add3A_5, %min3A_6 : i32
    %dma_start3A = arith.constant 0 : i32
    %dma_start3A_8 = arith.constant 0 : i32
    %dma_start3A_9 = arith.constant 0 : i32
    %dma_start3A_10 = tpu.memref_slice %arg6[%dma_start3A, %dma_start3A_8, %dma_start3A_9] : memref<4x128x64xf32, #tpu.memory_space<vmem>> -> memref<1x128x64xf32, #tpu.memory_space<vmem>>
    %dma_start3A_11 = tpu.memref_squeeze %dma_start3A_10 : memref<1x128x64xf32, #tpu.memory_space<vmem>> -> memref<128x64xf32, #tpu.memory_space<vmem>>
    %dma_start3A_12 = tpu.memref_slice %arg5[%min3A_7] : memref<3128xi32, #tpu.memory_space<vmem>> -> memref<128xi32, #tpu.memory_space<vmem>>
    %dma_start3A_13 = arith.constant 0 : i32
    %dma_start3A_14 = arith.constant 0 : i32
    %dma_start3A_15 = tpu.memref_slice %arg3[%dma_start3A_13, %dma_start3A_14] : memref<100000x64xf32, #tpu.memory_space<hbm>> -> memref<100000x64xf32, #tpu.memory_space<hbm>>
    tpu.enqueue_indirect_dma source(%dma_start3A_15 : memref<100000x64xf32, #tpu.memory_space<hbm>>) target(%dma_start3A_11 : memref<128x64xf32, #tpu.memory_space<vmem>>) offsets(%dma_start3A_12 : memref<128xi32, #tpu.memory_space<vmem>>) semaphore(%arg7 : memref<!tpu.dma_semaphore, #tpu.memory_space<semaphore_mem>>)
    %add3A_16 = arith.constant 128 : i32
    %add3A_17 = arith.addi %sub3A, %add3A_16 : i32
    %min3A_18 = arith.constant 3000 : i32
    %min3A_19 = arith.minsi %add3A_17, %min3A_18 : i32
    %dma_start3A_20 = arith.constant 1 : i32
    %dma_start3A_21 = arith.constant 0 : i32
    %dma_start3A_22 = arith.constant 0 : i32
    %dma_start3A_23 = tpu.memref_slice %arg6[%dma_start3A_20, %dma_start3A_21, %dma_start3A_22] : memref<4x128x64xf32, #tpu.memory_space<vmem>> -> memref<1x128x64xf32, #tpu.memory_space<vmem>>
    %dma_start3A_24 = tpu.memref_squeeze %dma_start3A_23 : memref<1x128x64xf32, #tpu.memory_space<vmem>> -> memref<128x64xf32, #tpu.memory_space<vmem>>
    %dma_start3A_25 = tpu.memref_slice %arg5[%min3A_19] : memref<3128xi32, #tpu.memory_space<vmem>> -> memref<128xi32, #tpu.memory_space<vmem>>
    %dma_start3A_26 = arith.constant 0 : i32
    %dma_start3A_27 = arith.constant 0 : i32
    %dma_start3A_28 = tpu.memref_slice %arg3[%dma_start3A_26, %dma_start3A_27] : memref<100000x64xf32, #tpu.memory_space<hbm>> -> memref<100000x64xf32, #tpu.memory_space<hbm>>
    tpu.enqueue_indirect_dma source(%dma_start3A_28 : memref<100000x64xf32, #tpu.memory_space<hbm>>) target(%dma_start3A_24 : memref<128x64xf32, #tpu.memory_space<vmem>>) offsets(%dma_start3A_25 : memref<128xi32, #tpu.memory_space<vmem>>) semaphore(%arg8 : memref<!tpu.dma_semaphore, #tpu.memory_space<semaphore_mem>>)
    %add3A_29 = arith.constant 256 : i32
    %add3A_30 = arith.addi %sub3A, %add3A_29 : i32
    %min3A_31 = arith.constant 3000 : i32
    %min3A_32 = arith.minsi %add3A_30, %min3A_31 : i32
    %dma_start3A_33 = arith.constant 2 : i32
    %dma_start3A_34 = arith.constant 0 : i32
    %dma_start3A_35 = arith.constant 0 : i32
    %dma_start3A_36 = tpu.memref_slice %arg6[%dma_start3A_33, %dma_start3A_34, %dma_start3A_35] : memref<4x128x64xf32, #tpu.memory_space<vmem>> -> memref<1x128x64xf32, #tpu.memory_space<vmem>>
    %dma_start3A_37 = tpu.memref_squeeze %dma_start3A_36 : memref<1x128x64xf32, #tpu.memory_space<vmem>> -> memref<128x64xf32, #tpu.memory_space<vmem>>
    %dma_start3A_38 = tpu.memref_slice %arg5[%min3A_32] : memref<3128xi32, #tpu.memory_space<vmem>> -> memref<128xi32, #tpu.memory_space<vmem>>
    %dma_start3A_39 = arith.constant 0 : i32
    %dma_start3A_40 = arith.constant 0 : i32
    %dma_start3A_41 = tpu.memref_slice %arg3[%dma_start3A_39, %dma_start3A_40] : memref<100000x64xf32, #tpu.memory_space<hbm>> -> memref<100000x64xf32, #tpu.memory_space<hbm>>
    tpu.enqueue_indirect_dma source(%dma_start3A_41 : memref<100000x64xf32, #tpu.memory_space<hbm>>) target(%dma_start3A_37 : memref<128x64xf32, #tpu.memory_space<vmem>>) offsets(%dma_start3A_38 : memref<128xi32, #tpu.memory_space<vmem>>) semaphore(%arg9 : memref<!tpu.dma_semaphore, #tpu.memory_space<semaphore_mem>>)
    %add3A_42 = arith.constant 384 : i32
    %add3A_43 = arith.addi %sub3A, %add3A_42 : i32
    %min3A_44 = arith.constant 3000 : i32
    %min3A_45 = arith.minsi %add3A_43, %min3A_44 : i32
    %dma_start3A_46 = arith.constant 3 : i32
    %dma_start3A_47 = arith.constant 0 : i32
    %dma_start3A_48 = arith.constant 0 : i32
    %dma_start3A_49 = tpu.memref_slice %arg6[%dma_start3A_46, %dma_start3A_47, %dma_start3A_48] : memref<4x128x64xf32, #tpu.memory_space<vmem>> -> memref<1x128x64xf32, #tpu.memory_space<vmem>>
    %dma_start3A_50 = tpu.memref_squeeze %dma_start3A_49 : memref<1x128x64xf32, #tpu.memory_space<vmem>> -> memref<128x64xf32, #tpu.memory_space<vmem>>
    %dma_start3A_51 = tpu.memref_slice %arg5[%min3A_45] : memref<3128xi32, #tpu.memory_space<vmem>> -> memref<128xi32, #tpu.memory_space<vmem>>
    %dma_start3A_52 = arith.constant 0 : i32
    %dma_start3A_53 = arith.constant 0 : i32
    %dma_start3A_54 = tpu.memref_slice %arg3[%dma_start3A_52, %dma_start3A_53] : memref<100000x64xf32, #tpu.memory_space<hbm>> -> memref<100000x64xf32, #tpu.memory_space<hbm>>
    tpu.enqueue_indirect_dma source(%dma_start3A_54 : memref<100000x64xf32, #tpu.memory_space<hbm>>) target(%dma_start3A_50 : memref<128x64xf32, #tpu.memory_space<vmem>>) offsets(%dma_start3A_51 : memref<128xi32, #tpu.memory_space<vmem>>) semaphore(%arg10 : memref<!tpu.dma_semaphore, #tpu.memory_space<semaphore_mem>>)
    %scan3A = arith.constant 0 : i32
    %scan3A_55 = arith.constant 6 : i32
    %scan3A_56 = arith.addi %scan3A, %scan3A_55 : i32
    %scan3A_57 = arith.constant 1 : i32
    scf.for %scan3A_78 = %scan3A to %scan3A_56 step %scan3A_57  : i32 {
      %mul3A_79 = arith.constant 4 : i32
      %mul3A_80 = arith.muli %scan3A_78, %mul3A_79 : i32
      %add3A_81 = arith.constant 0 : i32
      %add3A_82 = arith.addi %add3A_81, %mul3A_80 : i32
      %add3A_83 = arith.constant 0 : i32
      %add3A_84 = arith.addi %add3A_82, %add3A_83 : i32
      %dma_wait3A_85 = arith.constant 0 : i32
      %dma_wait3A_86 = arith.constant 0 : i32
      %dma_wait3A_87 = arith.constant 0 : i32
      %dma_wait3A_88 = tpu.memref_slice %arg6[%dma_wait3A_85, %dma_wait3A_86, %dma_wait3A_87] : memref<4x128x64xf32, #tpu.memory_space<vmem>> -> memref<1x128x64xf32, #tpu.memory_space<vmem>>
      %dma_wait3A_89 = tpu.memref_squeeze %dma_wait3A_88 : memref<1x128x64xf32, #tpu.memory_space<vmem>> -> memref<128x64xf32, #tpu.memory_space<vmem>>
      %dma_wait3A_90 = arith.constant 0 : i32
      %dma_wait3A_91 = arith.constant 0 : i32
      %dma_wait3A_92 = tpu.memref_slice %arg3[%dma_wait3A_90, %dma_wait3A_91] : memref<100000x64xf32, #tpu.memory_space<hbm>> -> memref<128x64xf32, #tpu.memory_space<hbm>>
      %dma_wait3A_93 = arith.constant 0 : i32
      %dma_wait3A_94 = arith.constant 0 : i32
      %dma_wait3A_95 = tpu.memref_slice %arg6[%dma_wait3A_85, %dma_wait3A_93, %dma_wait3A_94] : memref<4x128x64xf32, #tpu.memory_space<vmem>> -> memref<1x128x64xf32, #tpu.memory_space<vmem>>
      %dma_wait3A_96 = tpu.memref_squeeze %dma_wait3A_95 : memref<1x128x64xf32, #tpu.memory_space<vmem>> -> memref<128x64xf32, #tpu.memory_space<vmem>>
      %dma_wait3A_97 = arith.constant 0 : i32
      %dma_wait3A_98 = arith.constant 0 : i32
      %dma_wait3A_99 = tpu.memref_slice %arg3[%dma_wait3A_97, %dma_wait3A_98] : memref<100000x64xf32, #tpu.memory_space<hbm>> -> memref<128x64xf32, #tpu.memory_space<hbm>>
      tpu.wait_dma2 semaphore(%arg7 : memref<!tpu.dma_semaphore, #tpu.memory_space<semaphore_mem>>) src(%dma_wait3A_99 : memref<128x64xf32, #tpu.memory_space<hbm>>) dst(%dma_wait3A_96 : memref<128x64xf32, #tpu.memory_space<vmem>>)
      %mul3A_100 = arith.constant 128 : i32
      %mul3A_101 = arith.muli %add3A_84, %mul3A_100 : i32
      %add3A_102 = arith.addi %sub3A, %mul3A_101 : i32
      %min3A_103 = arith.constant 3000 : i32
      %min3A_104 = arith.minsi %add3A_102, %min3A_103 : i32
      %add3A_105 = arith.addi %min3A_3, %min3A_104 : i32
      %run_scoped3A_106 = arith.constant 0 : i32
      "tpu.region"() ({
        %run_scoped3A_204 = tpu.sem_alloc : memref<!tpu.dma_semaphore, #tpu.memory_space<semaphore_mem>>
        %dma_start3A_205 = arith.constant 0 : i32
        %dma_start3A_206 = arith.constant 0 : i32
        %dma_start3A_207 = tpu.memref_slice %arg6[%run_scoped3A_106, %dma_start3A_205, %dma_start3A_206] : memref<4x128x64xf32, #tpu.memory_space<vmem>> -> memref<1x128x64xf32, #tpu.memory_space<vmem>>
        %dma_start3A_208 = tpu.memref_squeeze %dma_start3A_207 : memref<1x128x64xf32, #tpu.memory_space<vmem>> -> memref<128x64xf32, #tpu.memory_space<vmem>>
        %dma_start3A_209 = arith.constant 0 : i32
        %dma_start3A_210 = tpu.memref_slice %arg4[%add3A_105, %dma_start3A_209] : memref<100000x64xf32, #tpu.memory_space<hbm>> -> memref<128x64xf32, #tpu.memory_space<hbm>>
        %dma_start3A_211 = arith.constant 0 : i32
        %dma_start3A_212 = tpu.memref_slice %arg4[%add3A_105, %dma_start3A_211] : memref<100000x64xf32, #tpu.memory_space<hbm>> -> memref<128x64xf32, #tpu.memory_space<hbm>>
        %dma_start3A_213 = arith.constant 0 : i32
        %dma_start3A_214 = arith.constant 0 : i32
        %dma_start3A_215 = tpu.memref_slice %arg6[%run_scoped3A_106, %dma_start3A_213, %dma_start3A_214] : memref<4x128x64xf32, #tpu.memory_space<vmem>> -> memref<1x128x64xf32, #tpu.memory_space<vmem>>
        %dma_start3A_216 = tpu.memref_squeeze %dma_start3A_215 : memref<1x128x64xf32, #tpu.memory_space<vmem>> -> memref<128x64xf32, #tpu.memory_space<vmem>>
        tpu.enqueue_dma source(%dma_start3A_216 : memref<128x64xf32, #tpu.memory_space<vmem>>) target(%dma_start3A_212 : memref<128x64xf32, #tpu.memory_space<hbm>>) target_semaphore(%run_scoped3A_204 : memref<!tpu.dma_semaphore, #tpu.memory_space<semaphore_mem>>)
        %dma_wait3A_217 = arith.constant 0 : i32
        %dma_wait3A_218 = arith.constant 0 : i32
        %dma_wait3A_219 = tpu.memref_slice %arg6[%run_scoped3A_106, %dma_wait3A_217, %dma_wait3A_218] : memref<4x128x64xf32, #tpu.memory_space<vmem>> -> memref<1x128x64xf32, #tpu.memory_space<vmem>>
        %dma_wait3A_220 = tpu.memref_squeeze %dma_wait3A_219 : memref<1x128x64xf32, #tpu.memory_space<vmem>> -> memref<128x64xf32, #tpu.memory_space<vmem>>
        %dma_wait3A_221 = arith.constant 0 : i32
        %dma_wait3A_222 = tpu.memref_slice %arg4[%add3A_105, %dma_wait3A_221] : memref<100000x64xf32, #tpu.memory_space<hbm>> -> memref<128x64xf32, #tpu.memory_space<hbm>>
        %dma_wait3A_223 = arith.constant 0 : i32
        %dma_wait3A_224 = tpu.memref_slice %arg4[%add3A_105, %dma_wait3A_223] : memref<100000x64xf32, #tpu.memory_space<hbm>> -> memref<128x64xf32, #tpu.memory_space<hbm>>
        %dma_wait3A_225 = arith.constant 0 : i32
        %dma_wait3A_226 = arith.constant 0 : i32
        %dma_wait3A_227 = tpu.memref_slice %arg6[%run_scoped3A_106, %dma_wait3A_225, %dma_wait3A_226] : memref<4x128x64xf32, #tpu.memory_space<vmem>> -> memref<1x128x64xf32, #tpu.memory_space<vmem>>
        %dma_wait3A_228 = tpu.memref_squeeze %dma_wait3A_227 : memref<1x128x64xf32, #tpu.memory_space<vmem>> -> memref<128x64xf32, #tpu.memory_space<vmem>>
        tpu.wait_dma2 semaphore(%run_scoped3A_204 : memref<!tpu.dma_semaphore, #tpu.memory_space<semaphore_mem>>) src(%dma_wait3A_228 : memref<128x64xf32, #tpu.memory_space<vmem>>) dst(%dma_wait3A_224 : memref<128x64xf32, #tpu.memory_space<hbm>>)
        tpu.yield
      }) : () -> ()
      %add3A_107 = arith.constant 4 : i32
      %add3A_108 = arith.addi %add3A_84, %add3A_107 : i32
      %lt3A = arith.constant 25 : i32
      %lt3A_109 = arith.cmpi slt, %add3A_108, %lt3A : i32
      %convert_element_type3A = arith.extui %lt3A_109 : i1 to i32
      %cond3A = arith.constant 0 : i32
      %cond3A_110 = arith.cmpi ne, %convert_element_type3A, %cond3A : i32
      scf.if %cond3A_110 {
        %add3A_204 = arith.constant 4 : i32
        %add3A_205 = arith.addi %add3A_84, %add3A_204 : i32
        %mul3A_206 = arith.constant 128 : i32
        %mul3A_207 = arith.muli %add3A_205, %mul3A_206 : i32
        %add3A_208 = arith.addi %sub3A, %mul3A_207 : i32
        %min3A_209 = arith.constant 3000 : i32
        %min3A_210 = arith.minsi %add3A_208, %min3A_209 : i32
        %dma_start3A_211 = arith.constant 0 : i32
        %dma_start3A_212 = arith.constant 0 : i32
        %dma_start3A_213 = arith.constant 0 : i32
        %dma_start3A_214 = tpu.memref_slice %arg6[%dma_start3A_211, %dma_start3A_212, %dma_start3A_213] : memref<4x128x64xf32, #tpu.memory_space<vmem>> -> memref<1x128x64xf32, #tpu.memory_space<vmem>>
        %dma_start3A_215 = tpu.memref_squeeze %dma_start3A_214 : memref<1x128x64xf32, #tpu.memory_space<vmem>> -> memref<128x64xf32, #tpu.memory_space<vmem>>
        %dma_start3A_216 = tpu.memref_slice %arg5[%min3A_210] : memref<3128xi32, #tpu.memory_space<vmem>> -> memref<128xi32, #tpu.memory_space<vmem>>
        %dma_start3A_217 = arith.constant 0 : i32
        %dma_start3A_218 = arith.constant 0 : i32
        %dma_start3A_219 = tpu.memref_slice %arg3[%dma_start3A_217, %dma_start3A_218] : memref<100000x64xf32, #tpu.memory_space<hbm>> -> memref<100000x64xf32, #tpu.memory_space<hbm>>
        tpu.enqueue_indirect_dma source(%dma_start3A_219 : memref<100000x64xf32, #tpu.memory_space<hbm>>) target(%dma_start3A_215 : memref<128x64xf32, #tpu.memory_space<vmem>>) offsets(%dma_start3A_216 : memref<128xi32, #tpu.memory_space<vmem>>) semaphore(%arg7 : memref<!tpu.dma_semaphore, #tpu.memory_space<semaphore_mem>>)
      } else {
      }
      %add3A_111 = arith.constant 1 : i32
      %add3A_112 = arith.addi %add3A_82, %add3A_111 : i32
      %dma_wait3A_113 = arith.constant 1 : i32
      %dma_wait3A_114 = arith.constant 0 : i32
      %dma_wait3A_115 = arith.constant 0 : i32
      %dma_wait3A_116 = tpu.memref_slice %arg6[%dma_wait3A_113, %dma_wait3A_114, %dma_wait3A_115] : memref<4x128x64xf32, #tpu.memory_space<vmem>> -> memref<1x128x64xf32, #tpu.memory_space<vmem>>
      %dma_wait3A_117 = tpu.memref_squeeze %dma_wait3A_116 : memref<1x128x64xf32, #tpu.memory_space<vmem>> -> memref<128x64xf32, #tpu.memory_space<vmem>>
      %dma_wait3A_118 = arith.constant 0 : i32
      %dma_wait3A_119 = arith.constant 0 : i32
      %dma_wait3A_120 = tpu.memref_slice %arg3[%dma_wait3A_118, %dma_wait3A_119] : memref<100000x64xf32, #tpu.memory_space<hbm>> -> memref<128x64xf32, #tpu.memory_space<hbm>>
      %dma_wait3A_121 = arith.constant 0 : i32
      %dma_wait3A_122 = arith.constant 0 : i32
      %dma_wait3A_123 = tpu.memref_slice %arg6[%dma_wait3A_113, %dma_wait3A_121, %dma_wait3A_122] : memref<4x128x64xf32, #tpu.memory_space<vmem>> -> memref<1x128x64xf32, #tpu.memory_space<vmem>>
      %dma_wait3A_124 = tpu.memref_squeeze %dma_wait3A_123 : memref<1x128x64xf32, #tpu.memory_space<vmem>> -> memref<128x64xf32, #tpu.memory_space<vmem>>
      %dma_wait3A_125 = arith.constant 0 : i32
      %dma_wait3A_126 = arith.constant 0 : i32
      %dma_wait3A_127 = tpu.memref_slice %arg3[%dma_wait3A_125, %dma_wait3A_126] : memref<100000x64xf32, #tpu.memory_space<hbm>> -> memref<128x64xf32, #tpu.memory_space<hbm>>
      tpu.wait_dma2 semaphore(%arg8 : memref<!tpu.dma_semaphore, #tpu.memory_space<semaphore_mem>>) src(%dma_wait3A_127 : memref<128x64xf32, #tpu.memory_space<hbm>>) dst(%dma_wait3A_124 : memref<128x64xf32, #tpu.memory_space<vmem>>)
      %mul3A_128 = arith.constant 128 : i32
      %mul3A_129 = arith.muli %add3A_112, %mul3A_128 : i32
      %add3A_130 = arith.addi %sub3A, %mul3A_129 : i32
      %min3A_131 = arith.constant 3000 : i32
      %min3A_132 = arith.minsi %add3A_130, %min3A_131 : i32
      %add3A_133 = arith.addi %min3A_3, %min3A_132 : i32
      %run_scoped3A_134 = arith.constant 1 : i32
      "tpu.region"() ({
        %run_scoped3A_204 = tpu.sem_alloc : memref<!tpu.dma_semaphore, #tpu.memory_space<semaphore_mem>>
        %dma_start3A_205 = arith.constant 0 : i32
        %dma_start3A_206 = arith.constant 0 : i32
        %dma_start3A_207 = tpu.memref_slice %arg6[%run_scoped3A_134, %dma_start3A_205, %dma_start3A_206] : memref<4x128x64xf32, #tpu.memory_space<vmem>> -> memref<1x128x64xf32, #tpu.memory_space<vmem>>
        %dma_start3A_208 = tpu.memref_squeeze %dma_start3A_207 : memref<1x128x64xf32, #tpu.memory_space<vmem>> -> memref<128x64xf32, #tpu.memory_space<vmem>>
        %dma_start3A_209 = arith.constant 0 : i32
        %dma_start3A_210 = tpu.memref_slice %arg4[%add3A_133, %dma_start3A_209] : memref<100000x64xf32, #tpu.memory_space<hbm>> -> memref<128x64xf32, #tpu.memory_space<hbm>>
        %dma_start3A_211 = arith.constant 0 : i32
        %dma_start3A_212 = tpu.memref_slice %arg4[%add3A_133, %dma_start3A_211] : memref<100000x64xf32, #tpu.memory_space<hbm>> -> memref<128x64xf32, #tpu.memory_space<hbm>>
        %dma_start3A_213 = arith.constant 0 : i32
        %dma_start3A_214 = arith.constant 0 : i32
        %dma_start3A_215 = tpu.memref_slice %arg6[%run_scoped3A_134, %dma_start3A_213, %dma_start3A_214] : memref<4x128x64xf32, #tpu.memory_space<vmem>> -> memref<1x128x64xf32, #tpu.memory_space<vmem>>
        %dma_start3A_216 = tpu.memref_squeeze %dma_start3A_215 : memref<1x128x64xf32, #tpu.memory_space<vmem>> -> memref<128x64xf32, #tpu.memory_space<vmem>>
        tpu.enqueue_dma source(%dma_start3A_216 : memref<128x64xf32, #tpu.memory_space<vmem>>) target(%dma_start3A_212 : memref<128x64xf32, #tpu.memory_space<hbm>>) target_semaphore(%run_scoped3A_204 : memref<!tpu.dma_semaphore, #tpu.memory_space<semaphore_mem>>)
        %dma_wait3A_217 = arith.constant 0 : i32
        %dma_wait3A_218 = arith.constant 0 : i32
        %dma_wait3A_219 = tpu.memref_slice %arg6[%run_scoped3A_134, %dma_wait3A_217, %dma_wait3A_218] : memref<4x128x64xf32, #tpu.memory_space<vmem>> -> memref<1x128x64xf32, #tpu.memory_space<vmem>>
        %dma_wait3A_220 = tpu.memref_squeeze %dma_wait3A_219 : memref<1x128x64xf32, #tpu.memory_space<vmem>> -> memref<128x64xf32, #tpu.memory_space<vmem>>
        %dma_wait3A_221 = arith.constant 0 : i32
        %dma_wait3A_222 = tpu.memref_slice %arg4[%add3A_133, %dma_wait3A_221] : memref<100000x64xf32, #tpu.memory_space<hbm>> -> memref<128x64xf32, #tpu.memory_space<hbm>>
        %dma_wait3A_223 = arith.constant 0 : i32
        %dma_wait3A_224 = tpu.memref_slice %arg4[%add3A_133, %dma_wait3A_223] : memref<100000x64xf32, #tpu.memory_space<hbm>> -> memref<128x64xf32, #tpu.memory_space<hbm>>
        %dma_wait3A_225 = arith.constant 0 : i32
        %dma_wait3A_226 = arith.constant 0 : i32
        %dma_wait3A_227 = tpu.memref_slice %arg6[%run_scoped3A_134, %dma_wait3A_225, %dma_wait3A_226] : memref<4x128x64xf32, #tpu.memory_space<vmem>> -> memref<1x128x64xf32, #tpu.memory_space<vmem>>
        %dma_wait3A_228 = tpu.memref_squeeze %dma_wait3A_227 : memref<1x128x64xf32, #tpu.memory_space<vmem>> -> memref<128x64xf32, #tpu.memory_space<vmem>>
        tpu.wait_dma2 semaphore(%run_scoped3A_204 : memref<!tpu.dma_semaphore, #tpu.memory_space<semaphore_mem>>) src(%dma_wait3A_228 : memref<128x64xf32, #tpu.memory_space<vmem>>) dst(%dma_wait3A_224 : memref<128x64xf32, #tpu.memory_space<hbm>>)
        tpu.yield
      }) : () -> ()
      %add3A_135 = arith.constant 4 : i32
      %add3A_136 = arith.addi %add3A_112, %add3A_135 : i32
      %lt3A_137 = arith.constant 25 : i32
      %lt3A_138 = arith.cmpi slt, %add3A_136, %lt3A_137 : i32
      %convert_element_type3A_139 = arith.extui %lt3A_138 : i1 to i32
      %cond3A_140 = arith.constant 0 : i32
      %cond3A_141 = arith.cmpi ne, %convert_element_type3A_139, %cond3A_140 : i32
      scf.if %cond3A_141 {
        %add3A_204 = arith.constant 4 : i32
        %add3A_205 = arith.addi %add3A_112, %add3A_204 : i32
        %mul3A_206 = arith.constant 128 : i32
        %mul3A_207 = arith.muli %add3A_205, %mul3A_206 : i32
        %add3A_208 = arith.addi %sub3A, %mul3A_207 : i32
        %min3A_209 = arith.constant 3000 : i32
        %min3A_210 = arith.minsi %add3A_208, %min3A_209 : i32
        %dma_start3A_211 = arith.constant 1 : i32
        %dma_start3A_212 = arith.constant 0 : i32
        %dma_start3A_213 = arith.constant 0 : i32
        %dma_start3A_214 = tpu.memref_slice %arg6[%dma_start3A_211, %dma_start3A_212, %dma_start3A_213] : memref<4x128x64xf32, #tpu.memory_space<vmem>> -> memref<1x128x64xf32, #tpu.memory_space<vmem>>
        %dma_start3A_215 = tpu.memref_squeeze %dma_start3A_214 : memref<1x128x64xf32, #tpu.memory_space<vmem>> -> memref<128x64xf32, #tpu.memory_space<vmem>>
        %dma_start3A_216 = tpu.memref_slice %arg5[%min3A_210] : memref<3128xi32, #tpu.memory_space<vmem>> -> memref<128xi32, #tpu.memory_space<vmem>>
        %dma_start3A_217 = arith.constant 0 : i32
        %dma_start3A_218 = arith.constant 0 : i32
        %dma_start3A_219 = tpu.memref_slice %arg3[%dma_start3A_217, %dma_start3A_218] : memref<100000x64xf32, #tpu.memory_space<hbm>> -> memref<100000x64xf32, #tpu.memory_space<hbm>>
        tpu.enqueue_indirect_dma source(%dma_start3A_219 : memref<100000x64xf32, #tpu.memory_space<hbm>>) target(%dma_start3A_215 : memref<128x64xf32, #tpu.memory_space<vmem>>) offsets(%dma_start3A_216 : memref<128xi32, #tpu.memory_space<vmem>>) semaphore(%arg8 : memref<!tpu.dma_semaphore, #tpu.memory_space<semaphore_mem>>)
      } else {
      }
      %add3A_142 = arith.constant 2 : i32
      %add3A_143 = arith.addi %add3A_82, %add3A_142 : i32
      %dma_wait3A_144 = arith.constant 2 : i32
      %dma_wait3A_145 = arith.constant 0 : i32
      %dma_wait3A_146 = arith.constant 0 : i32
      %dma_wait3A_147 = tpu.memref_slice %arg6[%dma_wait3A_144, %dma_wait3A_145, %dma_wait3A_146] : memref<4x128x64xf32, #tpu.memory_space<vmem>> -> memref<1x128x64xf32, #tpu.memory_space<vmem>>
      %dma_wait3A_148 = tpu.memref_squeeze %dma_wait3A_147 : memref<1x128x64xf32, #tpu.memory_space<vmem>> -> memref<128x64xf32, #tpu.memory_space<vmem>>
      %dma_wait3A_149 = arith.constant 0 : i32
      %dma_wait3A_150 = arith.constant 0 : i32
      %dma_wait3A_151 = tpu.memref_slice %arg3[%dma_wait3A_149, %dma_wait3A_150] : memref<100000x64xf32, #tpu.memory_space<hbm>> -> memref<128x64xf32, #tpu.memory_space<hbm>>
      %dma_wait3A_152 = arith.constant 0 : i32
      %dma_wait3A_153 = arith.constant 0 : i32
      %dma_wait3A_154 = tpu.memref_slice %arg6[%dma_wait3A_144, %dma_wait3A_152, %dma_wait3A_153] : memref<4x128x64xf32, #tpu.memory_space<vmem>> -> memref<1x128x64xf32, #tpu.memory_space<vmem>>
      %dma_wait3A_155 = tpu.memref_squeeze %dma_wait3A_154 : memref<1x128x64xf32, #tpu.memory_space<vmem>> -> memref<128x64xf32, #tpu.memory_space<vmem>>
      %dma_wait3A_156 = arith.constant 0 : i32
      %dma_wait3A_157 = arith.constant 0 : i32
      %dma_wait3A_158 = tpu.memref_slice %arg3[%dma_wait3A_156, %dma_wait3A_157] : memref<100000x64xf32, #tpu.memory_space<hbm>> -> memref<128x64xf32, #tpu.memory_space<hbm>>
      tpu.wait_dma2 semaphore(%arg9 : memref<!tpu.dma_semaphore, #tpu.memory_space<semaphore_mem>>) src(%dma_wait3A_158 : memref<128x64xf32, #tpu.memory_space<hbm>>) dst(%dma_wait3A_155 : memref<128x64xf32, #tpu.memory_space<vmem>>)
      %mul3A_159 = arith.constant 128 : i32
      %mul3A_160 = arith.muli %add3A_143, %mul3A_159 : i32
      %add3A_161 = arith.addi %sub3A, %mul3A_160 : i32
      %min3A_162 = arith.constant 3000 : i32
      %min3A_163 = arith.minsi %add3A_161, %min3A_162 : i32
      %add3A_164 = arith.addi %min3A_3, %min3A_163 : i32
      %run_scoped3A_165 = arith.constant 2 : i32
      "tpu.region"() ({
        %run_scoped3A_204 = tpu.sem_alloc : memref<!tpu.dma_semaphore, #tpu.memory_space<semaphore_mem>>
        %dma_start3A_205 = arith.constant 0 : i32
        %dma_start3A_206 = arith.constant 0 : i32
        %dma_start3A_207 = tpu.memref_slice %arg6[%run_scoped3A_165, %dma_start3A_205, %dma_start3A_206] : memref<4x128x64xf32, #tpu.memory_space<vmem>> -> memref<1x128x64xf32, #tpu.memory_space<vmem>>
        %dma_start3A_208 = tpu.memref_squeeze %dma_start3A_207 : memref<1x128x64xf32, #tpu.memory_space<vmem>> -> memref<128x64xf32, #tpu.memory_space<vmem>>
        %dma_start3A_209 = arith.constant 0 : i32
        %dma_start3A_210 = tpu.memref_slice %arg4[%add3A_164, %dma_start3A_209] : memref<100000x64xf32, #tpu.memory_space<hbm>> -> memref<128x64xf32, #tpu.memory_space<hbm>>
        %dma_start3A_211 = arith.constant 0 : i32
        %dma_start3A_212 = tpu.memref_slice %arg4[%add3A_164, %dma_start3A_211] : memref<100000x64xf32, #tpu.memory_space<hbm>> -> memref<128x64xf32, #tpu.memory_space<hbm>>
        %dma_start3A_213 = arith.constant 0 : i32
        %dma_start3A_214 = arith.constant 0 : i32
        %dma_start3A_215 = tpu.memref_slice %arg6[%run_scoped3A_165, %dma_start3A_213, %dma_start3A_214] : memref<4x128x64xf32, #tpu.memory_space<vmem>> -> memref<1x128x64xf32, #tpu.memory_space<vmem>>
        %dma_start3A_216 = tpu.memref_squeeze %dma_start3A_215 : memref<1x128x64xf32, #tpu.memory_space<vmem>> -> memref<128x64xf32, #tpu.memory_space<vmem>>
        tpu.enqueue_dma source(%dma_start3A_216 : memref<128x64xf32, #tpu.memory_space<vmem>>) target(%dma_start3A_212 : memref<128x64xf32, #tpu.memory_space<hbm>>) target_semaphore(%run_scoped3A_204 : memref<!tpu.dma_semaphore, #tpu.memory_space<semaphore_mem>>)
        %dma_wait3A_217 = arith.constant 0 : i32
        %dma_wait3A_218 = arith.constant 0 : i32
        %dma_wait3A_219 = tpu.memref_slice %arg6[%run_scoped3A_165, %dma_wait3A_217, %dma_wait3A_218] : memref<4x128x64xf32, #tpu.memory_space<vmem>> -> memref<1x128x64xf32, #tpu.memory_space<vmem>>
        %dma_wait3A_220 = tpu.memref_squeeze %dma_wait3A_219 : memref<1x128x64xf32, #tpu.memory_space<vmem>> -> memref<128x64xf32, #tpu.memory_space<vmem>>
        %dma_wait3A_221 = arith.constant 0 : i32
        %dma_wait3A_222 = tpu.memref_slice %arg4[%add3A_164, %dma_wait3A_221] : memref<100000x64xf32, #tpu.memory_space<hbm>> -> memref<128x64xf32, #tpu.memory_space<hbm>>
        %dma_wait3A_223 = arith.constant 0 : i32
        %dma_wait3A_224 = tpu.memref_slice %arg4[%add3A_164, %dma_wait3A_223] : memref<100000x64xf32, #tpu.memory_space<hbm>> -> memref<128x64xf32, #tpu.memory_space<hbm>>
        %dma_wait3A_225 = arith.constant 0 : i32
        %dma_wait3A_226 = arith.constant 0 : i32
        %dma_wait3A_227 = tpu.memref_slice %arg6[%run_scoped3A_165, %dma_wait3A_225, %dma_wait3A_226] : memref<4x128x64xf32, #tpu.memory_space<vmem>> -> memref<1x128x64xf32, #tpu.memory_space<vmem>>
        %dma_wait3A_228 = tpu.memref_squeeze %dma_wait3A_227 : memref<1x128x64xf32, #tpu.memory_space<vmem>> -> memref<128x64xf32, #tpu.memory_space<vmem>>
        tpu.wait_dma2 semaphore(%run_scoped3A_204 : memref<!tpu.dma_semaphore, #tpu.memory_space<semaphore_mem>>) src(%dma_wait3A_228 : memref<128x64xf32, #tpu.memory_space<vmem>>) dst(%dma_wait3A_224 : memref<128x64xf32, #tpu.memory_space<hbm>>)
        tpu.yield
      }) : () -> ()
      %add3A_166 = arith.constant 4 : i32
      %add3A_167 = arith.addi %add3A_143, %add3A_166 : i32
      %lt3A_168 = arith.constant 25 : i32
      %lt3A_169 = arith.cmpi slt, %add3A_167, %lt3A_168 : i32
      %convert_element_type3A_170 = arith.extui %lt3A_169 : i1 to i32
      %cond3A_171 = arith.constant 0 : i32
      %cond3A_172 = arith.cmpi ne, %convert_element_type3A_170, %cond3A_171 : i32
      scf.if %cond3A_172 {
        %add3A_204 = arith.constant 4 : i32
        %add3A_205 = arith.addi %add3A_143, %add3A_204 : i32
        %mul3A_206 = arith.constant 128 : i32
        %mul3A_207 = arith.muli %add3A_205, %mul3A_206 : i32
        %add3A_208 = arith.addi %sub3A, %mul3A_207 : i32
        %min3A_209 = arith.constant 3000 : i32
        %min3A_210 = arith.minsi %add3A_208, %min3A_209 : i32
        %dma_start3A_211 = arith.constant 2 : i32
        %dma_start3A_212 = arith.constant 0 : i32
        %dma_start3A_213 = arith.constant 0 : i32
        %dma_start3A_214 = tpu.memref_slice %arg6[%dma_start3A_211, %dma_start3A_212, %dma_start3A_213] : memref<4x128x64xf32, #tpu.memory_space<vmem>> -> memref<1x128x64xf32, #tpu.memory_space<vmem>>
        %dma_start3A_215 = tpu.memref_squeeze %dma_start3A_214 : memref<1x128x64xf32, #tpu.memory_space<vmem>> -> memref<128x64xf32, #tpu.memory_space<vmem>>
        %dma_start3A_216 = tpu.memref_slice %arg5[%min3A_210] : memref<3128xi32, #tpu.memory_space<vmem>> -> memref<128xi32, #tpu.memory_space<vmem>>
        %dma_start3A_217 = arith.constant 0 : i32
        %dma_start3A_218 = arith.constant 0 : i32
        %dma_start3A_219 = tpu.memref_slice %arg3[%dma_start3A_217, %dma_start3A_218] : memref<100000x64xf32, #tpu.memory_space<hbm>> -> memref<100000x64xf32, #tpu.memory_space<hbm>>
        tpu.enqueue_indirect_dma source(%dma_start3A_219 : memref<100000x64xf32, #tpu.memory_space<hbm>>) target(%dma_start3A_215 : memref<128x64xf32, #tpu.memory_space<vmem>>) offsets(%dma_start3A_216 : memref<128xi32, #tpu.memory_space<vmem>>) semaphore(%arg9 : memref<!tpu.dma_semaphore, #tpu.memory_space<semaphore_mem>>)
      } else {
      }
      %add3A_173 = arith.constant 3 : i32
      %add3A_174 = arith.addi %add3A_82, %add3A_173 : i32
      %dma_wait3A_175 = arith.constant 3 : i32
      %dma_wait3A_176 = arith.constant 0 : i32
      %dma_wait3A_177 = arith.constant 0 : i32
      %dma_wait3A_178 = tpu.memref_slice %arg6[%dma_wait3A_175, %dma_wait3A_176, %dma_wait3A_177] : memref<4x128x64xf32, #tpu.memory_space<vmem>> -> memref<1x128x64xf32, #tpu.memory_space<vmem>>
      %dma_wait3A_179 = tpu.memref_squeeze %dma_wait3A_178 : memref<1x128x64xf32, #tpu.memory_space<vmem>> -> memref<128x64xf32, #tpu.memory_space<vmem>>
      %dma_wait3A_180 = arith.constant 0 : i32
      %dma_wait3A_181 = arith.constant 0 : i32
      %dma_wait3A_182 = tpu.memref_slice %arg3[%dma_wait3A_180, %dma_wait3A_181] : memref<100000x64xf32, #tpu.memory_space<hbm>> -> memref<128x64xf32, #tpu.memory_space<hbm>>
      %dma_wait3A_183 = arith.constant 0 : i32
      %dma_wait3A_184 = arith.constant 0 : i32
      %dma_wait3A_185 = tpu.memref_slice %arg6[%dma_wait3A_175, %dma_wait3A_183, %dma_wait3A_184] : memref<4x128x64xf32, #tpu.memory_space<vmem>> -> memref<1x128x64xf32, #tpu.memory_space<vmem>>
      %dma_wait3A_186 = tpu.memref_squeeze %dma_wait3A_185 : memref<1x128x64xf32, #tpu.memory_space<vmem>> -> memref<128x64xf32, #tpu.memory_space<vmem>>
      %dma_wait3A_187 = arith.constant 0 : i32
      %dma_wait3A_188 = arith.constant 0 : i32
      %dma_wait3A_189 = tpu.memref_slice %arg3[%dma_wait3A_187, %dma_wait3A_188] : memref<100000x64xf32, #tpu.memory_space<hbm>> -> memref<128x64xf32, #tpu.memory_space<hbm>>
      tpu.wait_dma2 semaphore(%arg10 : memref<!tpu.dma_semaphore, #tpu.memory_space<semaphore_mem>>) src(%dma_wait3A_189 : memref<128x64xf32, #tpu.memory_space<hbm>>) dst(%dma_wait3A_186 : memref<128x64xf32, #tpu.memory_space<vmem>>)
      %mul3A_190 = arith.constant 128 : i32
      %mul3A_191 = arith.muli %add3A_174, %mul3A_190 : i32
      %add3A_192 = arith.addi %sub3A, %mul3A_191 : i32
      %min3A_193 = arith.constant 3000 : i32
      %min3A_194 = arith.minsi %add3A_192, %min3A_193 : i32
      %add3A_195 = arith.addi %min3A_3, %min3A_194 : i32
      %run_scoped3A_196 = arith.constant 3 : i32
      "tpu.region"() ({
        %run_scoped3A_204 = tpu.sem_alloc : memref<!tpu.dma_semaphore, #tpu.memory_space<semaphore_mem>>
        %dma_start3A_205 = arith.constant 0 : i32
        %dma_start3A_206 = arith.constant 0 : i32
        %dma_start3A_207 = tpu.memref_slice %arg6[%run_scoped3A_196, %dma_start3A_205, %dma_start3A_206] : memref<4x128x64xf32, #tpu.memory_space<vmem>> -> memref<1x128x64xf32, #tpu.memory_space<vmem>>
        %dma_start3A_208 = tpu.memref_squeeze %dma_start3A_207 : memref<1x128x64xf32, #tpu.memory_space<vmem>> -> memref<128x64xf32, #tpu.memory_space<vmem>>
        %dma_start3A_209 = arith.constant 0 : i32
        %dma_start3A_210 = tpu.memref_slice %arg4[%add3A_195, %dma_start3A_209] : memref<100000x64xf32, #tpu.memory_space<hbm>> -> memref<128x64xf32, #tpu.memory_space<hbm>>
        %dma_start3A_211 = arith.constant 0 : i32
        %dma_start3A_212 = tpu.memref_slice %arg4[%add3A_195, %dma_start3A_211] : memref<100000x64xf32, #tpu.memory_space<hbm>> -> memref<128x64xf32, #tpu.memory_space<hbm>>
        %dma_start3A_213 = arith.constant 0 : i32
        %dma_start3A_214 = arith.constant 0 : i32
        %dma_start3A_215 = tpu.memref_slice %arg6[%run_scoped3A_196, %dma_start3A_213, %dma_start3A_214] : memref<4x128x64xf32, #tpu.memory_space<vmem>> -> memref<1x128x64xf32, #tpu.memory_space<vmem>>
        %dma_start3A_216 = tpu.memref_squeeze %dma_start3A_215 : memref<1x128x64xf32, #tpu.memory_space<vmem>> -> memref<128x64xf32, #tpu.memory_space<vmem>>
        tpu.enqueue_dma source(%dma_start3A_216 : memref<128x64xf32, #tpu.memory_space<vmem>>) target(%dma_start3A_212 : memref<128x64xf32, #tpu.memory_space<hbm>>) target_semaphore(%run_scoped3A_204 : memref<!tpu.dma_semaphore, #tpu.memory_space<semaphore_mem>>)
        %dma_wait3A_217 = arith.constant 0 : i32
        %dma_wait3A_218 = arith.constant 0 : i32
        %dma_wait3A_219 = tpu.memref_slice %arg6[%run_scoped3A_196, %dma_wait3A_217, %dma_wait3A_218] : memref<4x128x64xf32, #tpu.memory_space<vmem>> -> memref<1x128x64xf32, #tpu.memory_space<vmem>>
        %dma_wait3A_220 = tpu.memref_squeeze %dma_wait3A_219 : memref<1x128x64xf32, #tpu.memory_space<vmem>> -> memref<128x64xf32, #tpu.memory_space<vmem>>
        %dma_wait3A_221 = arith.constant 0 : i32
        %dma_wait3A_222 = tpu.memref_slice %arg4[%add3A_195, %dma_wait3A_221] : memref<100000x64xf32, #tpu.memory_space<hbm>> -> memref<128x64xf32, #tpu.memory_space<hbm>>
        %dma_wait3A_223 = arith.constant 0 : i32
        %dma_wait3A_224 = tpu.memref_slice %arg4[%add3A_195, %dma_wait3A_223] : memref<100000x64xf32, #tpu.memory_space<hbm>> -> memref<128x64xf32, #tpu.memory_space<hbm>>
        %dma_wait3A_225 = arith.constant 0 : i32
        %dma_wait3A_226 = arith.constant 0 : i32
        %dma_wait3A_227 = tpu.memref_slice %arg6[%run_scoped3A_196, %dma_wait3A_225, %dma_wait3A_226] : memref<4x128x64xf32, #tpu.memory_space<vmem>> -> memref<1x128x64xf32, #tpu.memory_space<vmem>>
        %dma_wait3A_228 = tpu.memref_squeeze %dma_wait3A_227 : memref<1x128x64xf32, #tpu.memory_space<vmem>> -> memref<128x64xf32, #tpu.memory_space<vmem>>
        tpu.wait_dma2 semaphore(%run_scoped3A_204 : memref<!tpu.dma_semaphore, #tpu.memory_space<semaphore_mem>>) src(%dma_wait3A_228 : memref<128x64xf32, #tpu.memory_space<vmem>>) dst(%dma_wait3A_224 : memref<128x64xf32, #tpu.memory_space<hbm>>)
        tpu.yield
      }) : () -> ()
      %add3A_197 = arith.constant 4 : i32
      %add3A_198 = arith.addi %add3A_174, %add3A_197 : i32
      %lt3A_199 = arith.constant 25 : i32
      %lt3A_200 = arith.cmpi slt, %add3A_198, %lt3A_199 : i32
      %convert_element_type3A_201 = arith.extui %lt3A_200 : i1 to i32
      %cond3A_202 = arith.constant 0 : i32
      %cond3A_203 = arith.cmpi ne, %convert_element_type3A_201, %cond3A_202 : i32
      scf.if %cond3A_203 {
        %add3A_204 = arith.constant 4 : i32
        %add3A_205 = arith.addi %add3A_174, %add3A_204 : i32
        %mul3A_206 = arith.constant 128 : i32
        %mul3A_207 = arith.muli %add3A_205, %mul3A_206 : i32
        %add3A_208 = arith.addi %sub3A, %mul3A_207 : i32
        %min3A_209 = arith.constant 3000 : i32
        %min3A_210 = arith.minsi %add3A_208, %min3A_209 : i32
        %dma_start3A_211 = arith.constant 3 : i32
        %dma_start3A_212 = arith.constant 0 : i32
        %dma_start3A_213 = arith.constant 0 : i32
        %dma_start3A_214 = tpu.memref_slice %arg6[%dma_start3A_211, %dma_start3A_212, %dma_start3A_213] : memref<4x128x64xf32, #tpu.memory_space<vmem>> -> memref<1x128x64xf32, #tpu.memory_space<vmem>>
        %dma_start3A_215 = tpu.memref_squeeze %dma_start3A_214 : memref<1x128x64xf32, #tpu.memory_space<vmem>> -> memref<128x64xf32, #tpu.memory_space<vmem>>
        %dma_start3A_216 = tpu.memref_slice %arg5[%min3A_210] : memref<3128xi32, #tpu.memory_space<vmem>> -> memref<128xi32, #tpu.memory_space<vmem>>
        %dma_start3A_217 = arith.constant 0 : i32
        %dma_start3A_218 = arith.constant 0 : i32
        %dma_start3A_219 = tpu.memref_slice %arg3[%dma_start3A_217, %dma_start3A_218] : memref<100000x64xf32, #tpu.memory_space<hbm>> -> memref<100000x64xf32, #tpu.memory_space<hbm>>
        tpu.enqueue_indirect_dma source(%dma_start3A_219 : memref<100000x64xf32, #tpu.memory_space<hbm>>) target(%dma_start3A_215 : memref<128x64xf32, #tpu.memory_space<vmem>>) offsets(%dma_start3A_216 : memref<128xi32, #tpu.memory_space<vmem>>) semaphore(%arg10 : memref<!tpu.dma_semaphore, #tpu.memory_space<semaphore_mem>>)
      } else {
      }
    }
    %scan3A_58 = arith.constant 6 : i32
    %dma_wait3A = arith.constant 0 : i32
    %dma_wait3A_59 = arith.constant 0 : i32
    %dma_wait3A_60 = arith.constant 0 : i32
    %dma_wait3A_61 = tpu.memref_slice %arg6[%dma_wait3A, %dma_wait3A_59, %dma_wait3A_60] : memref<4x128x64xf32, #tpu.memory_space<vmem>> -> memref<1x128x64xf32, #tpu.memory_space<vmem>>
    %dma_wait3A_62 = tpu.memref_squeeze %dma_wait3A_61 : memref<1x128x64xf32, #tpu.memory_space<vmem>> -> memref<128x64xf32, #tpu.memory_space<vmem>>
    %dma_wait3A_63 = arith.constant 0 : i32
    %dma_wait3A_64 = arith.constant 0 : i32
    %dma_wait3A_65 = tpu.memref_slice %arg3[%dma_wait3A_63, %dma_wait3A_64] : memref<100000x64xf32, #tpu.memory_space<hbm>> -> memref<128x64xf32, #tpu.memory_space<hbm>>
    %dma_wait3A_66 = arith.constant 0 : i32
    %dma_wait3A_67 = arith.constant 0 : i32
    %dma_wait3A_68 = tpu.memref_slice %arg6[%dma_wait3A, %dma_wait3A_66, %dma_wait3A_67] : memref<4x128x64xf32, #tpu.memory_space<vmem>> -> memref<1x128x64xf32, #tpu.memory_space<vmem>>
    %dma_wait3A_69 = tpu.memref_squeeze %dma_wait3A_68 : memref<1x128x64xf32, #tpu.memory_space<vmem>> -> memref<128x64xf32, #tpu.memory_space<vmem>>
    %dma_wait3A_70 = arith.constant 0 : i32
    %dma_wait3A_71 = arith.constant 0 : i32
    %dma_wait3A_72 = tpu.memref_slice %arg3[%dma_wait3A_70, %dma_wait3A_71] : memref<100000x64xf32, #tpu.memory_space<hbm>> -> memref<128x64xf32, #tpu.memory_space<hbm>>
    tpu.wait_dma2 semaphore(%arg7 : memref<!tpu.dma_semaphore, #tpu.memory_space<semaphore_mem>>) src(%dma_wait3A_72 : memref<128x64xf32, #tpu.memory_space<hbm>>) dst(%dma_wait3A_69 : memref<128x64xf32, #tpu.memory_space<vmem>>)
    %add3A_73 = arith.constant 3072 : i32
    %add3A_74 = arith.addi %sub3A, %add3A_73 : i32
    %min3A_75 = arith.constant 3000 : i32
    %min3A_76 = arith.minsi %add3A_74, %min3A_75 : i32
    %add3A_77 = arith.addi %min3A_3, %min3A_76 : i32
    %run_scoped3A = arith.constant 0 : i32
    "tpu.region"() ({
      %run_scoped3A_78 = tpu.sem_alloc : memref<!tpu.dma_semaphore, #tpu.memory_space<semaphore_mem>>
      %dma_start3A_79 = arith.constant 0 : i32
      %dma_start3A_80 = arith.constant 0 : i32
      %dma_start3A_81 = tpu.memref_slice %arg6[%run_scoped3A, %dma_start3A_79, %dma_start3A_80] : memref<4x128x64xf32, #tpu.memory_space<vmem>> -> memref<1x128x64xf32, #tpu.memory_space<vmem>>
      %dma_start3A_82 = tpu.memref_squeeze %dma_start3A_81 : memref<1x128x64xf32, #tpu.memory_space<vmem>> -> memref<128x64xf32, #tpu.memory_space<vmem>>
      %dma_start3A_83 = arith.constant 0 : i32
      %dma_start3A_84 = tpu.memref_slice %arg4[%add3A_77, %dma_start3A_83] : memref<100000x64xf32, #tpu.memory_space<hbm>> -> memref<128x64xf32, #tpu.memory_space<hbm>>
      %dma_start3A_85 = arith.constant 0 : i32
      %dma_start3A_86 = tpu.memref_slice %arg4[%add3A_77, %dma_start3A_85] : memref<100000x64xf32, #tpu.memory_space<hbm>> -> memref<128x64xf32, #tpu.memory_space<hbm>>
      %dma_start3A_87 = arith.constant 0 : i32
      %dma_start3A_88 = arith.constant 0 : i32
      %dma_start3A_89 = tpu.memref_slice %arg6[%run_scoped3A, %dma_start3A_87, %dma_start3A_88] : memref<4x128x64xf32, #tpu.memory_space<vmem>> -> memref<1x128x64xf32, #tpu.memory_space<vmem>>
      %dma_start3A_90 = tpu.memref_squeeze %dma_start3A_89 : memref<1x128x64xf32, #tpu.memory_space<vmem>> -> memref<128x64xf32, #tpu.memory_space<vmem>>
      tpu.enqueue_dma source(%dma_start3A_90 : memref<128x64xf32, #tpu.memory_space<vmem>>) target(%dma_start3A_86 : memref<128x64xf32, #tpu.memory_space<hbm>>) target_semaphore(%run_scoped3A_78 : memref<!tpu.dma_semaphore, #tpu.memory_space<semaphore_mem>>)
      %dma_wait3A_91 = arith.constant 0 : i32
      %dma_wait3A_92 = arith.constant 0 : i32
      %dma_wait3A_93 = tpu.memref_slice %arg6[%run_scoped3A, %dma_wait3A_91, %dma_wait3A_92] : memref<4x128x64xf32, #tpu.memory_space<vmem>> -> memref<1x128x64xf32, #tpu.memory_space<vmem>>
      %dma_wait3A_94 = tpu.memref_squeeze %dma_wait3A_93 : memref<1x128x64xf32, #tpu.memory_space<vmem>> -> memref<128x64xf32, #tpu.memory_space<vmem>>
      %dma_wait3A_95 = arith.constant 0 : i32
      %dma_wait3A_96 = tpu.memref_slice %arg4[%add3A_77, %dma_wait3A_95] : memref<100000x64xf32, #tpu.memory_space<hbm>> -> memref<128x64xf32, #tpu.memory_space<hbm>>
      %dma_wait3A_97 = arith.constant 0 : i32
      %dma_wait3A_98 = tpu.memref_slice %arg4[%add3A_77, %dma_wait3A_97] : memref<100000x64xf32, #tpu.memory_space<hbm>> -> memref<128x64xf32, #tpu.memory_space<hbm>>
      %dma_wait3A_99 = arith.constant 0 : i32
      %dma_wait3A_100 = arith.constant 0 : i32
      %dma_wait3A_101 = tpu.memref_slice %arg6[%run_scoped3A, %dma_wait3A_99, %dma_wait3A_100] : memref<4x128x64xf32, #tpu.memory_space<vmem>> -> memref<1x128x64xf32, #tpu.memory_space<vmem>>
      %dma_wait3A_102 = tpu.memref_squeeze %dma_wait3A_101 : memref<1x128x64xf32, #tpu.memory_space<vmem>> -> memref<128x64xf32, #tpu.memory_space<vmem>>
      tpu.wait_dma2 semaphore(%run_scoped3A_78 : memref<!tpu.dma_semaphore, #tpu.memory_space<semaphore_mem>>) src(%dma_wait3A_102 : memref<128x64xf32, #tpu.memory_space<vmem>>) dst(%dma_wait3A_98 : memref<128x64xf32, #tpu.memory_space<hbm>>)
      tpu.yield
    }) : () -> ()
    return
  }
}

</mosaic_0001>

<sc_bundles>
// kernel: kernel.3.cloned.1.call-start
scs
__scs_entry_jumppad:
0x0: {  	(pc) =	sbr.rel $0x88, $3  }
0x1: {  	(tag) =	ssettag $0x0;
	lr =	simm.s32 $0x1  }
0x2: {  	[smem:$0x3F9F] =	sst lr;
	_ =	strace $0xD0000000  }
0x3: {  	_ = 	snop  }
0x4: {  	_ = 	snop  }
0x5: {  	_ = 	snop  }
0x6: {  	_ = 	snop  }
0x7: {  	_ = 	snop  }
__scs_overlays_trampoline_lowered:
0x8: {  	[smem:$0x3FAE] =	sst s0  }
0x9: {  	[smem:$0x3FAF] =	sst s1  }
0xa: {  	[smem:$0x3FB0] =	sst s2  }
0xb: {  	[smem:$0x3FB1] =	sst s3  }
0xc: {  	[smem:$0x3FB2] =	sst s4  }
0xd: {  	[smem:$0x3FB3] =	sst s5  }
0xe: {  	[smem:$0x3FB4] =	sst s6  }
0xf: {  	[smem:$0x3FB5] =	sst s7  }
0x10: {  	[smem:$0x3FB6] =	sst s8  }
0x11: {  	[smem:$0x3FB7] =	sst s9;
	s0 =	simm.s32 @!p0 $0x0  }
0x12: {  	s1 =	sld [smem:$0x3F9D];
	s0 =	simm.s32 @p0 $0x1  }
0x13: {  	[smem:$0x3FB8] =	sst s0;
	s0 =	simm.s32 @!p1 $0x0  }
0x14: {  	s2 =	sld [smem:$0x3F9C];
	s0 =	simm.s32 @p1 $0x1  }
0x15: {  	[smem:$0x3FB9] =	sst s0;
	s0 =	simm.s32 @!p2 $0x0  }
0x16: {  	s3 =	sld [smem:$0x3FDB];
	s0 =	simm.s32 @p2 $0x1  }
0x17: {  	s4 =	simm.s32 $0x1BF5;
	[smem:$0x3FBB] =	sst s0  }
0x18: {  	s0 =	sld [smem:$0x3F9E];
	_ =	swait.ge [sflag:s4], $0x0  }
0x19: {  	s7 =	sld [smem:$0x3F9F]  }
0x1a: {  	s8 =	sadd.s32 $0xFFFFE003, lr  }
0x1b: {  	s9 =	sadd.s32 $0xFFFFFEF7, lr;
	s5 =	simm.s32 $0xFFFFFFFF;
	p2 =	slt.u32 s8, $0xFFFFF086  }
0x1c: {  	p1 =	slt.u32 s9, $0xF7A;
	s5 =	simm.s32 @!p2 $0x0  }
0x1d: {  	s5 =	simm.s32 @p1 $0x1;
	p0 =	seq.s32 s7, s2  }
0x1e: {  	s7 =	smul.u32 @!p0 $0xF7A, s2;
	p2 =	seq.s32 @!p0 s5, $0x0  }
0x1f: {  	s9 =	smul.u32 $0xF7A, s1;
	s8 =	simm.s32 @!p0 $0x1BF5;
	p2 =	por !p2, p0  }
0x20: {  	[sflag:s8] =	ssyncset.s32 @!p0 $0xFFFFF086;
	s6 =	sadd.s32 @!p0 s3, s7;
	s7 =	simm.s32 @!p0 $0x108  }
0x21: {  	s3 =	sadd.s32 s3, s9;
	s6 =	sadd.s32 @!p0 $0x88, s6;
	s7 =	simm.s32 @p2 $0x1082  }
0x22: {  	[simem:s7], [sflag:s8] =	dma.local @!p0 [hbm:s6], $0xF7A  }
0x23: {  	s9 =	sor.u32 $0xD0000000, s2;
	s6 =	simm.s32 $0x108;
	_ =	swait.ge @!p0 [sflag:s8], $0x0  }
0x24: {  	s3 =	sadd.s32 $0x88, s3;
	s6 =	simm.s32 @!p1 $0x1082;
	[sflag:s4] =	ssyncset.s32 $0xFFFFF086  }
0x25: {  	[simem:s6], [sflag:s4] =	dma.local [hbm:s3], $0xF7A  }
0x26: {  	[smem:$0x3F9F] =	sst s1;
	(tag) =	ssettag s2;
	_ =	strace s9  }
0x27: {  	s1 =	sld [smem:$0x3FAF]  }
0x28: {  	s2 =	sld [smem:$0x3FB0]  }
0x29: {  	s4 =	sld [smem:$0x3FB2]  }
0x2a: {  	p0 =	seq.s32 s5, $0x0;
	s5 =	sld [smem:$0x3FB3]  }
0x2b: {  	s6 =	sld [smem:$0x3FB4]  }
0x2c: {  	s7 =	sld [smem:$0x3FB5]  }
0x2d: {  	s3 =	simm.s32 $0x108;
	s8 =	sld [smem:$0x3FB6]  }
0x2e: {  	s3 =	simm.s32 @!p0 $0x1082;
	s9 =	sld [smem:$0x3FB7]  }
0x2f: {  	lr =	sadd.s32 s0, s3;
	s0 =	sld [smem:$0x3FAE]  }
0x30: {  	s3 =	sld [smem:$0x3FB1]  }
0x31: {  	[smem:$0x3FBA] =	sst s10  }
0x32: {  	s10 =	sld [smem:$0x3FB8];
	_ =	sdelay $0x3  }
0x33: {  	p0 =	seq.s32 s10, $0x1;
	s10 =	sld [smem:$0x3FBA];
	_ =	sdelay $0x3  }
0x34: {  	[smem:$0x3FBA] =	sst s10  }
0x35: {  	s10 =	sld [smem:$0x3FB9];
	_ =	sdelay $0x3  }
0x36: {  	p1 =	seq.s32 s10, $0x1;
	s10 =	sld [smem:$0x3FBA];
	_ =	sdelay $0x3  }
0x37: {  	[smem:$0x3FBA] =	sst s10  }
0x38: {  	s10 =	sld [smem:$0x3FBB]  }
0x39: {  	_ = 	snop;
	(pc) =	sbr.ind lr, $3  }
0x3a: {  	_ = 	snop  }
0x3b: {  	_ = 	snop  }
0x3c: {  	p2 =	seq.s32 s10, $0x1;
	s10 =	sld [smem:$0x3FBA]  }
0x3d: {  	_ =	shalt  }
0x3e: {  	_ =	shalt  }
0x3f: {  	_ =	shalt  }
0x40: {  	_ =	shalt  }
0x41: {  	_ =	shalt  }
0x42: {  	_ =	shalt  }
0x43: {  	_ =	shalt  }
0x44: {  	_ =	shalt  }
0x45: {  	_ =	shalt  }
0x46: {  	_ =	shalt  }
0x47: {  	_ =	shalt  }
0x48: {  	_ =	shalt  }
0x49: {  	_ =	shalt  }
0x4a: {  	_ =	shalt  }
0x4b: {  	_ =	shalt  }
0x4c: {  	_ =	shalt  }
0x4d: {  	_ =	shalt  }
0x4e: {  	_ =	shalt  }
0x4f: {  	_ =	shalt  }
0x50: {  	_ =	shalt  }
0x51: {  	_ =	shalt  }
0x52: {  	_ =	shalt  }
0x53: {  	_ =	shalt  }
0x54: {  	_ =	shalt  }
0x55: {  	_ =	shalt  }
0x56: {  	_ =	shalt  }
0x57: {  	_ =	shalt  }
0x58: {  	_ =	shalt  }
0x59: {  	_ =	shalt  }
0x5a: {  	_ =	shalt  }
0x5b: {  	_ =	shalt  }
0x5c: {  	_ =	shalt  }
0x5d: {  	_ =	shalt  }
0x5e: {  	_ =	shalt  }
0x5f: {  	_ =	shalt  }
0x60: {  	_ =	shalt  }
0x61: {  	_ =	shalt  }
0x62: {  	_ =	shalt  }
0x63: {  	_ =	shalt  }
0x64: {  	_ =	shalt  }
0x65: {  	_ =	shalt  }
0x66: {  	_ =	shalt  }
0x67: {  	_ =	shalt  }
0x68: {  	_ =	shalt  }
0x69: {  	_ =	shalt  }
0x6a: {  	_ =	shalt  }
0x6b: {  	_ =	shalt  }
0x6c: {  	_ =	shalt  }
0x6d: {  	_ =	shalt  }
0x6e: {  	_ =	shalt  }
0x6f: {  	_ =	shalt  }
0x70: {  	_ =	shalt  }
0x71: {  	_ =	shalt  }
0x72: {  	_ =	shalt  }
0x73: {  	_ =	shalt  }
0x74: {  	_ =	shalt  }
0x75: {  	_ =	shalt  }
0x76: {  	_ =	shalt  }
0x77: {  	_ =	shalt  }
0x78: {  	_ =	shalt  }
0x79: {  	_ =	shalt  }
0x7a: {  	_ =	shalt  }
0x7b: {  	_ =	shalt  }
0x7c: {  	_ =	shalt  }
0x7d: {  	_ =	shalt  }
0x7e: {  	_ =	shalt  }
0x7f: {  	_ =	shalt  }
0x80: {  	_ =	shalt  }
0x81: {  	_ =	shalt  }
0x82: {  	_ =	shalt  }
0x83: {  	_ =	shalt  }
0x84: {  	_ =	shalt  }
0x85: {  	_ =	shalt  }
0x86: {  	_ =	shalt  }
0x87: {  	_ =	shalt  }
.Lfunc_end0:
.L_simem_size_0:
called_computation_lowered:
.L_overlay_start_0:
0x88: {  	s2 =	sld [smem:$0x3FD9]  }
0x89: {  	s3 =	sld [smem:$0x3FFE];
	_ =	sdelay $0x1  }
0x8a: {  	s1 =	srdreg.scid  }
0x8b: {  	s0 =	sand.u32 $0x1, s1  }
0x8c: {  	s17 =	sshll.u32 s0, $0xA;
	s2 =	sadd.s32 s3, s2  }
0x8d: {  	s2 =	sadd.s32 s2, s17  }
0x8e: {  	[smem:$0x3FC6] =	sst s2  }
0x8f: {  	_ = 	snop  }
0x90: {  	s2 =	sld [smem:$0x3FD0];
	(tm) =	ssettm $0x1  }
0x91: {  	s18 =	sld [smem:$0x3FFB];
	_ =	sdelay $0x3  }
0x92: {  	_ =	strace s18  }
0x93: {  	s3 =	sld [smem:$0x3FFC];
	_ =	sdelay $0x3  }
0x94: {  	_ =	strace s3  }
0x95: {  	s3 =	sld [smem:$0x3FFD];
	_ =	sdelay $0x3  }
0x96: {  	_ =	strace s3  }
0x97: {  	_ =	strace $0x8FFFFFFF  }
0x98: {  	s19 =	sld [smem:$0x3FDB];
	_ =	sdelay $0x1  }
0x99: {  	s4 =	simm.s32 $_scs_section_size  }
0x9a: {  	s5 =	simm.s32 $_size__tile_overlayer_lowered;
	s6 =	simm.s32 $_tile_overlayer_lowered  }
0x9b: {  	s22 =	simm.s32 $0x1BFF;
	s21 =	sshll.u32 s6, $0x1;
	s3 =	sadd.s32 s4, s19  }
0x9c: {  	s7 =	simm.s32 $0x0;
	s20 =	sshll.u32 s5, $0x1;
	s5 =	sadd.s32 s21, s3  }
0x9d: {  	[timem:s7], [sflag:s22] =	dma.local [hbm:s5], s20  }
0x9e: {  	_ =	swait.ge [sflag:s22], s20  }
0x9f: {  	s4 =	ssub.s32 $0x0, s20;
	[sflag:s22] =	ssyncset.done $0x0  }
0xa0: {  	[sflag:s22] =	ssyncadd.s32 s4;
	_ =	sdelay $0x1  }
0xa1: {  	s23 =	simm.s32 $0x1B8B  }
0xa2: {  	_ =	swait.ge [sflag:s23], $0x1  }
0xa3: {  	[sflag:s23] =	ssyncset.done $0x0  }
0xa4: {  	s25 =	simm.s32 $0x1B8E;
	s24 =	sld [smem:$0x3FFE];
	[sflag:s23] =	ssyncadd.s32 $0xFFFFFFFF  }
0xa5: {  	s26 =	simm.s32 $execute0_lowered;
	[smem:$0x3FD2] =	sst s25  }
0xa6: {  	s5 =	sshll.u32 s26, $0x1;
	_ =	strace $0x80000046;
	[dreg:$0x1] =	wrdreg $0xFFFFFFFF  }
0xa7: {  	s28 =	simm.s32 $_size_execute0_lowered;
	s3 =	sadd.s32 s3, s5;
	[dreg:$0x0] =	wrdreg $0x0  }
0xa8: {  	s5 =	sshll.u32 s28, $0x1;
	[dreg:$0x2] =	wrdreg s3  }
0xa9: {  	[dreg:$0x3] =	wrdreg s5  }
0xaa: {  	[dreg:$0x4] =	wrdreg $0xC0  }
0xab: {  	_ =	task [dreg:s7], $0x5FFFF  }
0xac: {  	[dreg:$0x1] =	wrdreg $0xFFFFFFFF  }
0xad: {  	[dreg:$0x0] =	wrdreg $0x60  }
0xae: {  	[dreg:$0x2] =	wrdreg s24  }
0xaf: {  	[dreg:$0x3] =	wrdreg s2  }
0xb0: {  	[dreg:$0x4] =	wrdreg $0x9  }
0xb1: {  	_ =	task.clear_ibuf [dreg:s7], $0x5FFFF;
	_ =	strace $0x90000046  }
0xb2: {  	s29 =	simm.s32 $0x9;
	_ =	strace $0x80000048  }
0xb3: {  	_ =	swait.ge [sflag:s29], $0x1  }
0xb4: {  	[sflag:s29] =	ssyncadd.s32 $0xFFFFFFFF  }
0xb5: {  	_ =	strace $0x90000048  }
0xb6: {  	_ =	sfence  }
0xb7: {  	s30 =	sld [smem:$0x0];
	_ =	sdelay $0x2  }
0xb8: {  	s31 =	sshll.u32 s1, $0xD;
	s1 =	sshrl.u32 s1, $0x2  }
0xb9: {  	s3 =	sand.u32 $0x4000, s31;
	s1 =	sadd.s32 s1, s30  }
0xba: {  	s0 =	sor.u32 s3, s0;
	s1 =	sshll.u32 s1, $0x11  }
0xbb: {  	s0 =	sor.u32 s1, s0  }
0xbc: {  	s0 =	sadd.s32 $0x8F2B, s0  }
0xbd: {  	[sflag:s0] =	ssyncadd.remote.s32 $0x1  }
0xbe: {  	_ =	sfence.sel $0xFFFF  }
0xbf: {  	[dreg:$0x0] =	wrdreg $0xFFFFFFFF;
	(pc) =	sbr.abs _section_cstart, $3  }
0xc0: {  	[dreg:$0x1] =	wrdreg $0xFFFFFFFF  }
0xc1: {  	_ =	task.clear_ibuf [dreg:s7], $0x2FFFF;
	_ =	strace $0x9FFFFFFF  }
0xc2: {  	(tm) =	ssettm $0x7FFFFFFF  }
0xc3: {  	_ =	shalt  }
tec
execute0_lowered:
.L_overlay_start_1:
0x0: {  	(tag) =	ssettag $0x1  }
0x1: {  	s1 =	srdreg.scid;
	s5 =	rddreg [dreg:$0x0]  }
0x2: {  	s0 =	stileid.u32;
	s2 =	rddreg [dreg:$0x1];
	s3 =	simm.s32 $0x0  }
0x3: {  	s15 =	simm.s32 $0x80;
	s16 =	simm.s32 $0xC38;
	s17 =	simm.s32 $0x2C38  }
0x4: {  	s18 =	simm.s32 $0x4C38;
	s19 =	simm.s32 $0x6C38;
	s20 =	simm.s32 $0x1  }
0x5: {  	s21 =	simm.s32 $0x2;
	s22 =	simm.s32 $0x3;
	s23 =	simm.s32 $0x4  }
0x6: {  	s9 =	sand.u32 $0x1, s1;
	s28 =	sshll.u32 s0, $0x1;
	s29 =	smul.u32 $0x1870, s0  }
0x7: {  	s24 =	simm.s32 $0x0;
	s1 =	sor.u32 s9, s28;
	s14 =	smul.u32 $0xC38, s9  }
0x8: {  	[smem:$0x7FF] =	sst s3;
	s8 =	ssub.s32 $0x2, s9;
	s6 =	smul.u32 $0xC38, s1  }
0x9: {  	s1 =	rddreg [dreg:$0x2];
	_ =	strace $0x80000047;
	s11 =	sshrl.u32 s8, $0x1  }
0xa: {  	s13 =	ssub.s32 s8, s11;
	s14 =	sadd.s32 s14, s29;
	s4 =	smin.u32 s6, $0x17A68  }
0xb: {  	s31 =	smax.u32 s14, $0x17A68;
	s14 =	simm.s32 $0x5;
	s7 =	sshrl.u32 s4, $0x3  }
0xc: {  	s10 =	ssub.s32 s6, s4;
	s30 =	sshll.u32 s4, $0x3;
	s7 =	sadd.s32 s7, s5  }
0xd: {  	s5 =	sadd.s32 $0x3400, s5;
	p0 =	slt.s32 s10, $0xBB8;
	s6 =	smov.u32 s10  }
0xe: {  	s12 =	smov.u32 s10;
	s6 =	simm.s32 @!p0 $0xBB8;
	p0 =	slt.s32 s10, $0xB38  }
.Ltmp0:
0xf: {  	s11 =	smov.u32 s10;
	s12 =	simm.s32 @!p0 $0xB38;
	(pc) =	sbr.rel .LBB2_1-.Ltmp0, $4  }
0x10: {  	s7 =	sadd.s32 $0x200, s7;
	p0 =	slt.s32 s10, $0xAB8;
	s8 =	sadd.s32 $0x80, s12  }
0x11: {  	s11 =	simm.s32 @!p0 $0xAB8;
	p0 =	slt.s32 s10, $0xA38;
	s12 =	smax.u32 s13, $0x1  }
0x12: {  	s9 =	sadd.s32 $0x100, s11;
	s10 =	simm.s32 @!p0 $0xA38;
	s11 =	sadd.s32 s30, s5  }
0x13: {  	s13 =	sadd.s32 $0xFFFE8598, s31;
	s10 =	sadd.s32 $0x180, s10;
	s11 =	sadd.s32 $0x5DC0, s11  }
.LBB2_4:
0x14: {  	_ =	swait.ge [sflag:s20], $0x2000;
	s24 =	sadd.s32 $0x1, s24  }
0x15: {  	[sflag:s20] =	ssyncset.done $0x0;
	p0 =	sne.s32 s24, s12  }
.Ltmp1:
0x16: {  	[sflag:s20] =	ssyncadd.s32 $0xFFFFE000;
	(pc) =	sbr.rel @!p0 .LBB2_5-.Ltmp1, $4  }
0x17: {  	[hbm4b:s11+s3] =	stream.linear.scatter [tilespmem:s16], [sflag:$0x5], $0x2000, $0x38;
	[tilespmem:$0x8C38] =	vst v63  }
0x18: {  	_ =	swait.ge [sflag:s14], $0x2000  }
0x19: {  	[sflag:s14] =	ssyncset.done $0x0  }
0x1a: {  	[sflag:s14] =	ssyncadd.s32 $0xFFFFE000  }
.LBB2_1:
0x1b: {  	[tilespmem:s3], [sflag:$0x5] =	stream.linear.gather [hbm4b:s7+s3], $0xC38, $0x38;
	[tilespmem:$0x8C38] =	vst v63  }
0x1c: {  	_ =	swait.ge [sflag:s14], $0xC38  }
0x1d: {  	[sflag:s14] =	ssyncset.done $0x0  }
0x1e: {  	[sflag:s14] =	ssyncadd.s32 $0xFFFFF3C8  }
0x1f: {  	[tilespmem:s16], [sflag:$0x1] =	stream.indirect.gather [hbm4b:s2+s15], $0x40, s6, s15, $0xb8;
	[tilespmem:$0x8C38] =	vst v63  }
0x20: {  	_ = 	snop  }
0x21: {  	[tilespmem:s17], [sflag:$0x2] =	stream.indirect.gather [hbm4b:s2+s15], $0x40, s8, s15, $0xb8;
	[tilespmem:$0x8C38] =	vst v63  }
0x22: {  	_ = 	snop  }
0x23: {  	[tilespmem:s18], [sflag:$0x3] =	stream.indirect.gather [hbm4b:s2+s15], $0x40, s9, s15, $0xb8;
	[tilespmem:$0x8C38] =	vst v63  }
0x24: {  	s25 =	simm.s32 $0x0  }
0x25: {  	[tilespmem:s19], [sflag:$0x4] =	stream.indirect.gather [hbm4b:s2+s15], $0x40, s10, s15, $0xb8;
	[tilespmem:$0x8C38] =	vst v63  }
.LBB2_2:
0x26: {  	s26 =	sadd.s32 s25, s13  }
0x27: {  	p0 =	slt.s32 s26, $0xBB8;
	s28 =	smov.u32 s26  }
0x28: {  	s28 =	simm.s32 @!p0 $0xBB8  }
0x29: {  	_ =	swait.ge [sflag:s20], $0x2000;
	s28 =	sadd.s32 s4, s28  }
0x2a: {  	[sflag:s20] =	ssyncset.done $0x0;
	s28 =	sshll.u32 s28, $0x3  }
0x2b: {  	[sflag:s20] =	ssyncadd.s32 $0xFFFFE000;
	s28 =	sadd.s32 s5, s28  }
0x2c: {  	[hbm4b:s28+s3] =	stream.linear.scatter [tilespmem:s16], [sflag:$0x5], $0x2000, $0x38;
	[tilespmem:$0x8C38] =	vst v63  }
0x2d: {  	s28 =	sadd.s32 $0x200, s26;
	_ =	swait.ge [sflag:s14], $0x2000  }
0x2e: {  	p0 =	slt.s32 s28, $0xBB8;
	[sflag:s14] =	ssyncset.done $0x0  }
0x2f: {  	s28 =	simm.s32 @!p0 $0xBB8;
	[sflag:s14] =	ssyncadd.s32 $0xFFFFE000  }
0x30: {  	[tilespmem:s16], [sflag:$0x1] =	stream.indirect.gather [hbm4b:s2+s15], $0x40, s28, s15, $0xb8;
	[tilespmem:$0x8C38] =	vst v63  }
0x31: {  	s28 =	sadd.s32 $0x80, s26  }
0x32: {  	p0 =	slt.s32 s28, $0xBB8  }
0x33: {  	s28 =	simm.s32 @!p0 $0xBB8  }
0x34: {  	s28 =	sadd.s32 s4, s28  }
0x35: {  	_ =	swait.ge [sflag:s21], $0x2000;
	s28 =	sshll.u32 s28, $0x3  }
0x36: {  	[sflag:s21] =	ssyncset.done $0x0;
	s28 =	sand.u32 $0x1FFFFFF8, s28  }
0x37: {  	p0 =	seq.s32 s25, $0xA00;
	[sflag:s21] =	ssyncadd.s32 $0xFFFFE000;
	s28 =	sadd.s32 s5, s28  }
0x38: {  	[hbm4b:s28+s3] =	stream.linear.scatter [tilespmem:s17], [sflag:$0x5], $0x2000, $0x38;
	[tilespmem:$0x8C38] =	vst v63  }
0x39: {  	s28 =	sadd.s32 @!p0 s25, s13  }
0x3a: {  	s29 =	sadd.s32 @!p0 $0x280, s28  }
0x3b: {  	_ =	swait.ge [sflag:s14], $0x2000;
	p1 =	slt.s32 @!p0 s29, $0xBB8  }
0x3c: {  	s30 =	simm.s32 @!p0 $0x80;
	[sflag:s14] =	ssyncset.done $0x0;
	p1 =	por !p1, p0  }
0x3d: {  	s31 =	simm.s32 @!p0 $0x2C38;
	[sflag:s14] =	ssyncadd.s32 $0xFFFFE000;
	s29 =	simm.s32 @p1 $0xBB8  }
0x3e: {  	[tilespmem:s31], [sflag:$0x2] =	stream.indirect.gather @!p0 [hbm4b:s2+s30], $0x40, s29, s30, $0xb8;
	[tilespmem:$0x8C38] =	vst v63  }
0x3f: {  	s29 =	sadd.s32 $0x100, s26  }
0x40: {  	p1 =	slt.s32 s29, $0xBB8  }
0x41: {  	s29 =	simm.s32 @!p1 $0xBB8  }
0x42: {  	s29 =	sadd.s32 s4, s29  }
0x43: {  	_ =	swait.ge [sflag:s22], $0x2000;
	s29 =	sshll.u32 s29, $0x3  }
0x44: {  	[sflag:s22] =	ssyncset.done $0x0;
	s29 =	sand.u32 $0x1FFFFFF8, s29  }
0x45: {  	s28 =	sadd.s32 @!p0 $0x300, s28;
	[sflag:s22] =	ssyncadd.s32 $0xFFFFE000;
	s29 =	sadd.s32 s5, s29  }
0x46: {  	[hbm4b:s29+s3] =	stream.linear.scatter [tilespmem:s18], [sflag:$0x5], $0x2000, $0x38;
	[tilespmem:$0x8C38] =	vst v63  }
0x47: {  	p1 =	slt.s32 @!p0 s28, $0xBB8;
	_ =	swait.ge [sflag:s14], $0x2000  }
0x48: {  	p1 =	por !p1, p0;
	[sflag:s14] =	ssyncset.done $0x0  }
0x49: {  	s28 =	simm.s32 @p1 $0xBB8;
	s29 =	simm.s32 @!p0 $0x4C38;
	[sflag:s14] =	ssyncadd.s32 $0xFFFFE000  }
0x4a: {  	[tilespmem:s29], [sflag:$0x3] =	stream.indirect.gather @!p0 [hbm4b:s2+s30], $0x40, s28, s30, $0xb8;
	[tilespmem:$0x8C38] =	vst v63  }
0x4b: {  	s28 =	sadd.s32 $0x180, s26  }
0x4c: {  	p1 =	slt.s32 s28, $0xBB8  }
0x4d: {  	s28 =	simm.s32 @!p1 $0xBB8  }
0x4e: {  	s28 =	sadd.s32 s4, s28  }
0x4f: {  	_ =	swait.ge [sflag:s23], $0x2000;
	s28 =	sshll.u32 s28, $0x3  }
0x50: {  	[sflag:s23] =	ssyncset.done $0x0;
	s28 =	sand.u32 $0x1FFFFFF8, s28  }
.Ltmp2:
0x51: {  	[sflag:s23] =	ssyncadd.s32 $0xFFFFE000;
	s28 =	sadd.s32 s5, s28;
	(pc) =	sbr.rel @p0 .LBB2_4-.Ltmp2, $4  }
0x52: {  	[hbm4b:s28+s3] =	stream.linear.scatter [tilespmem:s19], [sflag:$0x5], $0x2000, $0x38;
	[tilespmem:$0x8C38] =	vst v63  }
0x53: {  	_ =	swait.ge [sflag:s14], $0x2000  }
0x54: {  	[sflag:s14] =	ssyncset.done $0x0  }
0x55: {  	[sflag:s14] =	ssyncadd.s32 $0xFFFFE000  }
.Ltmp3:
0x56: {  	(pc) =	sbr.rel .LBB2_2-.Ltmp3, $4  }
0x57: {  	s26 =	sadd.s32 $0x380, s26  }
0x58: {  	p0 =	slt.s32 s26, $0xBB8  }
0x59: {  	s25 =	sadd.s32 $0x200, s25;
	s26 =	simm.s32 @!p0 $0xBB8  }
0x5a: {  	[tilespmem:s19], [sflag:$0x4] =	stream.indirect.gather [hbm4b:s2+s15], $0x40, s26, s15, $0xb8;
	[tilespmem:$0x8C38] =	vst v63  }
.LBB2_5:
0x5b: {  	_ =	sfence.sel $0x180000  }
0x5c: {  	[bflag:$0x0] =	sbarrier.arrive $0xFFFF  }
0x5d: {  	p0 =	sne.s32 s0, $0x0;
	_ =	strace $0x90000047  }
0x5e: {  	s0 =	sadd.s32 @!p0 $0x100000, s1;
	[bflag:$0x2] =	sbarrier.arrive $0xFFFF  }
0x5f: {  	[sflag:s0] =	ssyncadd.tile.s32 @!p0 $0x1;
	_ =	shalt  }
.Lfunc_end2:
_tile_overlayer_lowered:
.L_overlay_start_2:
0x60: {  	(tag) =	ssettag $0x2  }
0x61: {  	s0 =	rddreg [dreg:$0x0];
	s2 =	stileid.u32  }
0x62: {  	s1 =	rddreg [dreg:$0x1];
	p0 =	sne.s32 s2, $0x0  }
0x63: {  	s3 =	rddreg [dreg:$0x2];
	[bflag:$0x3] =	sbarrier.arrive $0xFFFF;
	s2 =	simm.s32 @!p0 $0x1C05  }
0x64: {  	[timem:s3], [sflag:s2] =	dma.local @!p0 [hbm:s0], s1  }
0x65: {  	s0 =	simm.s32 @!p0 $0x5  }
0x66: {  	_ =	swait.ge @!p0 [sflag:s0], s1  }
0x67: {  	s1 =	ssub.s32 @!p0 $0x0, s1;
	[sflag:s0] =	ssyncset.done @!p0 $0x0  }
0x68: {  	[sflag:s0] =	ssyncadd.s32 @!p0 s1  }
0x69: {  	[bflag:$0x3] =	sbarrier.arrive $0xFFFF  }
0x6a: {  	_ =	shalt  }

</sc_bundles>
